<compile_context>
chip_gen: v7x
topology: tpu7x:2x2x1
jax: 0.10.2.dev20260603
libtpu: 0.0.44.dev20260713+nightly
codegen_flags: <defaults>
</compile_context>

<pallas_src>
import functools
import jax
import jax.numpy as jnp
from jax import lax
from jax.experimental import pallas as pl
from jax.experimental.pallas import tpu as pltpu
from jax.experimental.pallas import tpu_sc as plsc

BATCH = 16384
HIST = 200
EMB = 128
N_ROWS = BATCH * HIST
TC_ROWS = N_ROWS // 2
SC_ROWS = N_ROWS - TC_ROWS
NW = 32
ROWS_PER_W = SC_ROWS // NW
BUF_ROWS = 400
N_CHUNKS = ROWS_PER_W // BUF_ROWS
WINDOW = 6
TC_BLOCK = 12800
TC_GRID = TC_ROWS // TC_BLOCK

_mesh = plsc.VectorSubcoreMesh(core_axis_name="c", subcore_axis_name="s")


@functools.partial(
    pl.kernel,
    out_type=jax.ShapeDtypeStruct((N_ROWS, EMB), jnp.float32),
    mesh=_mesh,
    scratch_types=[
        pltpu.VMEM((BUF_ROWS, EMB), jnp.float32),
        pltpu.SemaphoreType.DMA,
    ],
)
def _sc_broadcast(table_hbm, out_hbm, buf, sem):
    wid = lax.axis_index("s") * 2 + lax.axis_index("c")
    base = TC_ROWS + wid * ROWS_PER_W

    pltpu.sync_copy(table_hbm, buf.at[pl.ds(0, 1)])
    regs = [buf[0, pl.ds(16 * j, 16)] for j in range(EMB // 16)]

    def fill(r, _):
        for j in range(EMB // 16):
            buf[r, pl.ds(16 * j, 16)] = regs[j]
        return 0

    lax.fori_loop(1, BUF_ROWS, fill, 0)

    def copy(i):
        return pltpu.make_async_copy(
            buf, out_hbm.at[pl.ds(base + i * BUF_ROWS, BUF_ROWS)], sem
        )

    def body(i, _):
        copy(i).start()

        @pl.when(i >= WINDOW)
        def _():
            copy(i - WINDOW).wait()

        return 0

    lax.fori_loop(0, N_CHUNKS, body, 0)

    def drain(i, _):
        copy(N_CHUNKS - WINDOW + i).wait()
        return 0

    lax.fori_loop(0, WINDOW, drain, 0)


def _tc_body(table_ref, prev_ref, out_ref):
    del prev_ref
    row = table_ref[0, :]
    out_ref[...] = jnp.broadcast_to(row[None, :], out_ref.shape)


def kernel(indices, table):
    del indices
    sc_part = _sc_broadcast(table)
    out = pl.pallas_call(
        _tc_body,
        grid=(TC_GRID,),
        in_specs=[
            pl.BlockSpec((1, EMB), lambda i: (0, 0)),
            pl.BlockSpec(memory_space=pl.ANY),
        ],
        out_specs=pl.BlockSpec((TC_BLOCK, EMB), lambda i: (i, 0)),
        out_shape=jax.ShapeDtypeStruct((N_ROWS, EMB), jnp.float32),
        input_output_aliases={1: 0},
    )(table, sc_part)
    return out.reshape(BATCH, HIST, EMB)

# --- scband reference (transcript-rebuilt; emitter-appended) ---
"""Pipeline reference for scband-model-41781441856004 (READ-ONLY COPY).

The authoritative reference and input builder live on the scoring server;
editing this copy changes nothing except your own understanding.
"""

import jax, jax.numpy as jnp
import numpy as np

EMBEDDING_SIZE = 128
NUM_EMBEDDINGS = 1
BATCH = 16384
HIST = 200

def setup_inputs(seed: int = 0) -> dict:
    key = jax.random.key(seed)
    k_idx, k_tab = jax.random.split(key)
    indices = jax.random.randint(k_idx, (BATCH, HIST), 0, NUM_EMBEDDINGS, dtype=jnp.int64 if jax.config.jax_enable_x64 else jnp.int32)
    # nn.Embedding default init: N(0, 1)
    table = jax.random.normal(k_tab, (NUM_EMBEDDINGS, EMBEDDING_SIZE), dtype=jnp.float32)
    return {"indices": indices, "table": table}

def reference(indices, table):
    # Faithful to nn.Embedding.forward: gather rows of the table
    return jnp.take(table, indices, axis=0)

if __name__ == "__main__":
    import jax
    _d = setup_inputs()
    print(jax.jit(kernel)(*tuple(_d.values())))

</pallas_src>

<mosaic_0001>
#map = affine_map<(d0, d1) -> (0, 0)>
module attributes {stable_mosaic.version = 14 : i64} {
  func.func @_sc_broadcast(%arg0: i32, %arg1: i32, %arg2: memref<1x128xf32, #tpu.memory_space<hbm>>, %arg3: memref<3276800x128xf32, #tpu.memory_space<hbm>>, %arg4: memref<400x128xf32, #tpu.memory_space<vmem>>, %arg5: memref<!tpu.dma_semaphore, #tpu.memory_space<semaphore_mem>>) attributes {dimension_semantics = [#tpu.dimension_semantics<core_parallel>, #tpu.dimension_semantics<subcore_parallel>], iteration_bounds = array<i64: 2, 16>, scalar_prefetch = 0 : i64, scratch_operands = 2 : i64, tpu.core_type = #tpu.core_type<sc_vector_subcore>, window_params = [{transform_indices = #map}, {transform_indices = #map}]} {
    %mul3A = arith.constant 2 : i32
    %mul3A_0 = arith.muli %arg1, %mul3A : i32
    %add3A = arith.addi %mul3A_0, %arg0 : i32
    %mul3A_1 = arith.constant 51200 : i32
    %mul3A_2 = arith.muli %add3A, %mul3A_1 : i32
    %add3A_3 = arith.constant 1638400 : i32
    %add3A_4 = arith.addi %add3A_3, %mul3A_2 : i32
    "tpu.region"() ({
      %run_scoped3A = tpu.sem_alloc : memref<!tpu.dma_semaphore, #tpu.memory_space<semaphore_mem>>
      %dma_start3A = arith.constant 0 : i32
      %dma_start3A_64 = arith.constant 0 : i32
      %dma_start3A_65 = tpu.memref_slice %arg4[%dma_start3A, %dma_start3A_64] : memref<400x128xf32, #tpu.memory_space<vmem>> -> memref<1x128xf32, #tpu.memory_space<vmem>>
      %dma_start3A_66 = arith.constant 0 : i32
      %dma_start3A_67 = arith.constant 0 : i32
      %dma_start3A_68 = tpu.memref_slice %arg4[%dma_start3A_66, %dma_start3A_67] : memref<400x128xf32, #tpu.memory_space<vmem>> -> memref<1x128xf32, #tpu.memory_space<vmem>>
      tpu.enqueue_dma source(%arg2 : memref<1x128xf32, #tpu.memory_space<hbm>>) target(%dma_start3A_68 : memref<1x128xf32, #tpu.memory_space<vmem>>) target_semaphore(%run_scoped3A : memref<!tpu.dma_semaphore, #tpu.memory_space<semaphore_mem>>)
      %dma_wait3A = arith.constant 0 : i32
      %dma_wait3A_69 = arith.constant 0 : i32
      %dma_wait3A_70 = tpu.memref_slice %arg4[%dma_wait3A, %dma_wait3A_69] : memref<400x128xf32, #tpu.memory_space<vmem>> -> memref<1x128xf32, #tpu.memory_space<vmem>>
      %dma_wait3A_71 = arith.constant 0 : i32
      %dma_wait3A_72 = arith.constant 0 : i32
      %dma_wait3A_73 = tpu.memref_slice %arg4[%dma_wait3A_71, %dma_wait3A_72] : memref<400x128xf32, #tpu.memory_space<vmem>> -> memref<1x128xf32, #tpu.memory_space<vmem>>
      tpu.wait_dma2 semaphore(%run_scoped3A : memref<!tpu.dma_semaphore, #tpu.memory_space<semaphore_mem>>) src(%arg2 : memref<1x128xf32, #tpu.memory_space<hbm>>) dst(%dma_wait3A_73 : memref<1x128xf32, #tpu.memory_space<vmem>>)
      tpu.yield
    }) : () -> ()
    %get3A = arith.constant 0 : i32
    %get3A_5 = arith.index_cast %get3A : i32 to index
    %get3A_6 = arith.constant 0 : index
    %get3A_7 = tpu.vector_load %arg4[%get3A_5, %get3A_6] {strides = array<i32>} : memref<400x128xf32, #tpu.memory_space<vmem>>, vector<1x16xf32>,
    %get3A_8 = vector.shape_cast %get3A_7 : vector<1x16xf32> to vector<16xf32>
    %get3A_9 = arith.constant 0 : i32
    %get3A_10 = arith.index_cast %get3A_9 : i32 to index
    %get3A_11 = arith.constant 16 : index
    %get3A_12 = tpu.vector_load %arg4[%get3A_10, %get3A_11] {strides = array<i32>} : memref<400x128xf32, #tpu.memory_space<vmem>>, vector<1x16xf32>,
    %get3A_13 = vector.shape_cast %get3A_12 : vector<1x16xf32> to vector<16xf32>
    %get3A_14 = arith.constant 0 : i32
    %get3A_15 = arith.index_cast %get3A_14 : i32 to index
    %get3A_16 = arith.constant 32 : index
    %get3A_17 = tpu.vector_load %arg4[%get3A_15, %get3A_16] {strides = array<i32>} : memref<400x128xf32, #tpu.memory_space<vmem>>, vector<1x16xf32>,
    %get3A_18 = vector.shape_cast %get3A_17 : vector<1x16xf32> to vector<16xf32>
    %get3A_19 = arith.constant 0 : i32
    %get3A_20 = arith.index_cast %get3A_19 : i32 to index
    %get3A_21 = arith.constant 48 : index
    %get3A_22 = tpu.vector_load %arg4[%get3A_20, %get3A_21] {strides = array<i32>} : memref<400x128xf32, #tpu.memory_space<vmem>>, vector<1x16xf32>,
    %get3A_23 = vector.shape_cast %get3A_22 : vector<1x16xf32> to vector<16xf32>
    %get3A_24 = arith.constant 0 : i32
    %get3A_25 = arith.index_cast %get3A_24 : i32 to index
    %get3A_26 = arith.constant 64 : index
    %get3A_27 = tpu.vector_load %arg4[%get3A_25, %get3A_26] {strides = array<i32>} : memref<400x128xf32, #tpu.memory_space<vmem>>, vector<1x16xf32>,
    %get3A_28 = vector.shape_cast %get3A_27 : vector<1x16xf32> to vector<16xf32>
    %get3A_29 = arith.constant 0 : i32
    %get3A_30 = arith.index_cast %get3A_29 : i32 to index
    %get3A_31 = arith.constant 80 : index
    %get3A_32 = tpu.vector_load %arg4[%get3A_30, %get3A_31] {strides = array<i32>} : memref<400x128xf32, #tpu.memory_space<vmem>>, vector<1x16xf32>,
    %get3A_33 = vector.shape_cast %get3A_32 : vector<1x16xf32> to vector<16xf32>
    %get3A_34 = arith.constant 0 : i32
    %get3A_35 = arith.index_cast %get3A_34 : i32 to index
    %get3A_36 = arith.constant 96 : index
    %get3A_37 = tpu.vector_load %arg4[%get3A_35, %get3A_36] {strides = array<i32>} : memref<400x128xf32, #tpu.memory_space<vmem>>, vector<1x16xf32>,
    %get3A_38 = vector.shape_cast %get3A_37 : vector<1x16xf32> to vector<16xf32>
    %get3A_39 = arith.constant 0 : i32
    %get3A_40 = arith.index_cast %get3A_39 : i32 to index
    %get3A_41 = arith.constant 112 : index
    %get3A_42 = tpu.vector_load %arg4[%get3A_40, %get3A_41] {strides = array<i32>} : memref<400x128xf32, #tpu.memory_space<vmem>>, vector<1x16xf32>,
    %get3A_43 = vector.shape_cast %get3A_42 : vector<1x16xf32> to vector<16xf32>
    %scan3A = arith.constant 0 : i32
    %scan3A_44 = arith.constant 1 : i32
    %scan3A_45 = arith.constant 399 : i32
    %scan3A_46 = arith.addi %scan3A_44, %scan3A_45 : i32
    %scan3A_47 = arith.constant 1 : i32
    %scan3A_48 = scf.for %scan3A_64 = %scan3A_44 to %scan3A_46 step %scan3A_47 iter_args(%scan3A_65 = %scan3A) -> (i32)  : i32 {
      %swap3A = arith.index_cast %scan3A_64 : i32 to index
      %swap3A_66 = arith.constant 0 : index
      %swap3A_67 = tpu.vector_load %arg4[%swap3A, %swap3A_66] {strides = array<i32>} : memref<400x128xf32, #tpu.memory_space<vmem>>, vector<1x16xf32>,
      %swap3A_68 = vector.shape_cast %swap3A_67 : vector<1x16xf32> to vector<16xf32>
      %swap3A_69 = vector.shape_cast %get3A_8 : vector<16xf32> to vector<1x16xf32>
      tpu.vector_store %arg4[%swap3A, %swap3A_66], %swap3A_69 {strides = array<i32>} : memref<400x128xf32, #tpu.memory_space<vmem>>, vector<1x16xf32>,
      %swap3A_70 = arith.index_cast %scan3A_64 : i32 to index
      %swap3A_71 = arith.constant 16 : index
      %swap3A_72 = tpu.vector_load %arg4[%swap3A_70, %swap3A_71] {strides = array<i32>} : memref<400x128xf32, #tpu.memory_space<vmem>>, vector<1x16xf32>,
      %swap3A_73 = vector.shape_cast %swap3A_72 : vector<1x16xf32> to vector<16xf32>
      %swap3A_74 = vector.shape_cast %get3A_13 : vector<16xf32> to vector<1x16xf32>
      tpu.vector_store %arg4[%swap3A_70, %swap3A_71], %swap3A_74 {strides = array<i32>} : memref<400x128xf32, #tpu.memory_space<vmem>>, vector<1x16xf32>,
      %swap3A_75 = arith.index_cast %scan3A_64 : i32 to index
      %swap3A_76 = arith.constant 32 : index
      %swap3A_77 = tpu.vector_load %arg4[%swap3A_75, %swap3A_76] {strides = array<i32>} : memref<400x128xf32, #tpu.memory_space<vmem>>, vector<1x16xf32>,
      %swap3A_78 = vector.shape_cast %swap3A_77 : vector<1x16xf32> to vector<16xf32>
      %swap3A_79 = vector.shape_cast %get3A_18 : vector<16xf32> to vector<1x16xf32>
      tpu.vector_store %arg4[%swap3A_75, %swap3A_76], %swap3A_79 {strides = array<i32>} : memref<400x128xf32, #tpu.memory_space<vmem>>, vector<1x16xf32>,
      %swap3A_80 = arith.index_cast %scan3A_64 : i32 to index
      %swap3A_81 = arith.constant 48 : index
      %swap3A_82 = tpu.vector_load %arg4[%swap3A_80, %swap3A_81] {strides = array<i32>} : memref<400x128xf32, #tpu.memory_space<vmem>>, vector<1x16xf32>,
      %swap3A_83 = vector.shape_cast %swap3A_82 : vector<1x16xf32> to vector<16xf32>
      %swap3A_84 = vector.shape_cast %get3A_23 : vector<16xf32> to vector<1x16xf32>
      tpu.vector_store %arg4[%swap3A_80, %swap3A_81], %swap3A_84 {strides = array<i32>} : memref<400x128xf32, #tpu.memory_space<vmem>>, vector<1x16xf32>,
      %swap3A_85 = arith.index_cast %scan3A_64 : i32 to index
      %swap3A_86 = arith.constant 64 : index
      %swap3A_87 = tpu.vector_load %arg4[%swap3A_85, %swap3A_86] {strides = array<i32>} : memref<400x128xf32, #tpu.memory_space<vmem>>, vector<1x16xf32>,
      %swap3A_88 = vector.shape_cast %swap3A_87 : vector<1x16xf32> to vector<16xf32>
      %swap3A_89 = vector.shape_cast %get3A_28 : vector<16xf32> to vector<1x16xf32>
      tpu.vector_store %arg4[%swap3A_85, %swap3A_86], %swap3A_89 {strides = array<i32>} : memref<400x128xf32, #tpu.memory_space<vmem>>, vector<1x16xf32>,
      %swap3A_90 = arith.index_cast %scan3A_64 : i32 to index
      %swap3A_91 = arith.constant 80 : index
      %swap3A_92 = tpu.vector_load %arg4[%swap3A_90, %swap3A_91] {strides = array<i32>} : memref<400x128xf32, #tpu.memory_space<vmem>>, vector<1x16xf32>,
      %swap3A_93 = vector.shape_cast %swap3A_92 : vector<1x16xf32> to vector<16xf32>
      %swap3A_94 = vector.shape_cast %get3A_33 : vector<16xf32> to vector<1x16xf32>
      tpu.vector_store %arg4[%swap3A_90, %swap3A_91], %swap3A_94 {strides = array<i32>} : memref<400x128xf32, #tpu.memory_space<vmem>>, vector<1x16xf32>,
      %swap3A_95 = arith.index_cast %scan3A_64 : i32 to index
      %swap3A_96 = arith.constant 96 : index
      %swap3A_97 = tpu.vector_load %arg4[%swap3A_95, %swap3A_96] {strides = array<i32>} : memref<400x128xf32, #tpu.memory_space<vmem>>, vector<1x16xf32>,
      %swap3A_98 = vector.shape_cast %swap3A_97 : vector<1x16xf32> to vector<16xf32>
      %swap3A_99 = vector.shape_cast %get3A_38 : vector<16xf32> to vector<1x16xf32>
      tpu.vector_store %arg4[%swap3A_95, %swap3A_96], %swap3A_99 {strides = array<i32>} : memref<400x128xf32, #tpu.memory_space<vmem>>, vector<1x16xf32>,
      %swap3A_100 = arith.index_cast %scan3A_64 : i32 to index
      %swap3A_101 = arith.constant 112 : index
      %swap3A_102 = tpu.vector_load %arg4[%swap3A_100, %swap3A_101] {strides = array<i32>} : memref<400x128xf32, #tpu.memory_space<vmem>>, vector<1x16xf32>,
      %swap3A_103 = vector.shape_cast %swap3A_102 : vector<1x16xf32> to vector<16xf32>
      %swap3A_104 = vector.shape_cast %get3A_43 : vector<16xf32> to vector<1x16xf32>
      tpu.vector_store %arg4[%swap3A_100, %swap3A_101], %swap3A_104 {strides = array<i32>} : memref<400x128xf32, #tpu.memory_space<vmem>>, vector<1x16xf32>,
      %scan3A_105 = arith.constant 0 : i32
      scf.yield %scan3A_105 : i32
    }
    %scan3A_49 = arith.constant 399 : i32
    %scan3A_50 = arith.constant 0 : i32
    %scan3A_51 = arith.constant 0 : i32
    %scan3A_52 = arith.constant 128 : i32
    %scan3A_53 = arith.addi %scan3A_51, %scan3A_52 : i32
    %scan3A_54 = arith.constant 1 : i32
    %scan3A_55 = scf.for %scan3A_64 = %scan3A_51 to %scan3A_53 step %scan3A_54 iter_args(%scan3A_65 = %scan3A_50) -> (i32)  : i32 {
      %mul3A_66 = arith.constant 400 : i32
      %mul3A_67 = arith.muli %scan3A_64, %mul3A_66 : i32
      %add3A_68 = arith.addi %add3A_4, %mul3A_67 : i32
      %dma_start3A = arith.constant 0 : i32
      %dma_start3A_69 = tpu.memref_slice %arg3[%add3A_68, %dma_start3A] : memref<3276800x128xf32, #tpu.memory_space<hbm>> -> memref<400x128xf32, #tpu.memory_space<hbm>>
      %dma_start3A_70 = arith.constant 0 : i32
      %dma_start3A_71 = tpu.memref_slice %arg3[%add3A_68, %dma_start3A_70] : memref<3276800x128xf32, #tpu.memory_space<hbm>> -> memref<400x128xf32, #tpu.memory_space<hbm>>
      tpu.enqueue_dma source(%arg4 : memref<400x128xf32, #tpu.memory_space<vmem>>) target(%dma_start3A_71 : memref<400x128xf32, #tpu.memory_space<hbm>>) target_semaphore(%arg5 : memref<!tpu.dma_semaphore, #tpu.memory_space<semaphore_mem>>)
      %ge3A = arith.constant 6 : i32
      %ge3A_72 = arith.cmpi sge, %scan3A_64, %ge3A : i32
      %convert_element_type3A = arith.extui %ge3A_72 : i1 to i32
      %cond3A = arith.constant 0 : i32
      %cond3A_73 = arith.cmpi ne, %convert_element_type3A, %cond3A : i32
      scf.if %cond3A_73 {
        %sub3A = arith.constant 6 : i32
        %sub3A_75 = arith.subi %scan3A_64, %sub3A : i32
        %mul3A_76 = arith.constant 400 : i32
        %mul3A_77 = arith.muli %sub3A_75, %mul3A_76 : i32
        %add3A_78 = arith.addi %add3A_4, %mul3A_77 : i32
        %dma_wait3A = arith.constant 0 : i32
        %dma_wait3A_79 = tpu.memref_slice %arg3[%add3A_78, %dma_wait3A] : memref<3276800x128xf32, #tpu.memory_space<hbm>> -> memref<400x128xf32, #tpu.memory_space<hbm>>
        %dma_wait3A_80 = arith.constant 0 : i32
        %dma_wait3A_81 = tpu.memref_slice %arg3[%add3A_78, %dma_wait3A_80] : memref<3276800x128xf32, #tpu.memory_space<hbm>> -> memref<400x128xf32, #tpu.memory_space<hbm>>
        tpu.wait_dma2 semaphore(%arg5 : memref<!tpu.dma_semaphore, #tpu.memory_space<semaphore_mem>>) src(%arg4 : memref<400x128xf32, #tpu.memory_space<vmem>>) dst(%dma_wait3A_81 : memref<400x128xf32, #tpu.memory_space<hbm>>)
      } else {
      }
      %scan3A_74 = arith.constant 0 : i32
      scf.yield %scan3A_74 : i32
    }
    %scan3A_56 = arith.constant 128 : i32
    %scan3A_57 = arith.constant 0 : i32
    %scan3A_58 = arith.constant 0 : i32
    %scan3A_59 = arith.constant 6 : i32
    %scan3A_60 = arith.addi %scan3A_58, %scan3A_59 : i32
    %scan3A_61 = arith.constant 1 : i32
    %scan3A_62 = scf.for %scan3A_64 = %scan3A_58 to %scan3A_60 step %scan3A_61 iter_args(%scan3A_65 = %scan3A_57) -> (i32)  : i32 {
      %add3A_66 = arith.constant 122 : i32
      %add3A_67 = arith.addi %add3A_66, %scan3A_64 : i32
      %mul3A_68 = arith.constant 400 : i32
      %mul3A_69 = arith.muli %add3A_67, %mul3A_68 : i32
      %add3A_70 = arith.addi %add3A_4, %mul3A_69 : i32
      %dma_wait3A = arith.constant 0 : i32
      %dma_wait3A_71 = tpu.memref_slice %arg3[%add3A_70, %dma_wait3A] : memref<3276800x128xf32, #tpu.memory_space<hbm>> -> memref<400x128xf32, #tpu.memory_space<hbm>>
      %dma_wait3A_72 = arith.constant 0 : i32
      %dma_wait3A_73 = tpu.memref_slice %arg3[%add3A_70, %dma_wait3A_72] : memref<3276800x128xf32, #tpu.memory_space<hbm>> -> memref<400x128xf32, #tpu.memory_space<hbm>>
      tpu.wait_dma2 semaphore(%arg5 : memref<!tpu.dma_semaphore, #tpu.memory_space<semaphore_mem>>) src(%arg4 : memref<400x128xf32, #tpu.memory_space<vmem>>) dst(%dma_wait3A_73 : memref<400x128xf32, #tpu.memory_space<hbm>>)
      %scan3A_74 = arith.constant 0 : i32
      scf.yield %scan3A_74 : i32
    }
    %scan3A_63 = arith.constant 6 : i32
    return
  }
}

module attributes {stable_mosaic.version = 14 : i64} {
  func.func @_tc_body(%arg0: i32, %arg1: memref<1x128xf32, #tpu.memory_space<vmem>>, %arg2: memref<3276800x128xf32, #tpu.memory_space<any>>, %arg3: memref<12800x128xf32, #tpu.memory_space<vmem>>) attributes {dimension_semantics = [#tpu.dimension_semantics<arbitrary>], iteration_bounds = array<i64: 128>, scalar_prefetch = 0 : i64, scratch_operands = 0 : i64, tpu.core_type = #tpu.core_type<tc>, window_params = [{pipeline_mode = #tpu.pipeline_mode<synchronous>, transform_indices = @transform_0, window_bounds = array<i64: 1, 128>}, {}, {transform_indices = @transform_2, window_bounds = array<i64: 12800, 128>}]} {
    %get3A = arith.constant 0 : index
    %get3A_0 = arith.constant 0 : index
    %get3A_1 = vector.load %arg1[%get3A, %get3A_0] : memref<1x128xf32, #tpu.memory_space<vmem>>, vector<1x128xf32>
    %get3A_2 = vector.shape_cast %get3A_1 : vector<1x128xf32> to vector<128xf32>
    %broadcast_in_dim3A = vector.shape_cast %get3A_2 : vector<128xf32> to vector<1x128xf32>
    %broadcast_in_dim3A_3 = vector.shape_cast %broadcast_in_dim3A : vector<1x128xf32> to vector<1x128xf32>
    %broadcast_in_dim3A_4 = vector.broadcast %broadcast_in_dim3A_3 : vector<1x128xf32> to vector<12800x128xf32>
    %swap3A = arith.constant 0 : index
    %swap3A_5 = arith.constant 0 : index
    %swap3A_6 = vector.load %arg3[%swap3A, %swap3A_5] : memref<12800x128xf32, #tpu.memory_space<vmem>>, vector<12800x128xf32>
    tpu.vector_store %arg3[%swap3A, %swap3A_5], %broadcast_in_dim3A_4 {strides = array<i32>} : memref<12800x128xf32, #tpu.memory_space<vmem>>, vector<12800x128xf32>,
    return
  }
  func.func @transform_0(%arg0: i32) -> (i32, i32) {
    %c0_i32 = arith.constant 0 : i32
    %c0_i32_0 = arith.constant 0 : i32
    %c0_i32_1 = arith.constant 0 : i32
    return %c0_i32, %c0_i32_0 : i32, i32
  }
  func.func @transform_2(%arg0: i32) -> (i32, i32) {
    %c0_i32 = arith.constant 0 : i32
    %c0_i32_0 = arith.constant 0 : i32
    return %arg0, %c0_i32 : i32, i32
  }
}

</mosaic_0001>

<sc_bundles>
// kernel: kernel.4.cloned.1.call-start
scs
__scs_entry_jumppad:
0x0: {  	(pc) =	sbr.rel $0x88, $3  }
0x1: {  	(tag) =	ssettag $0x0;
	lr =	simm.s32 $0x1  }
0x2: {  	[smem:$0x3FA0] =	sst lr;
	_ =	strace $0xD0000000  }
0x3: {  	_ = 	snop  }
0x4: {  	_ = 	snop  }
0x5: {  	_ = 	snop  }
0x6: {  	_ = 	snop  }
0x7: {  	_ = 	snop  }
__scs_overlays_trampoline_lowered:
0x8: {  	[smem:$0x3FAF] =	sst s0  }
0x9: {  	[smem:$0x3FB0] =	sst s1  }
0xa: {  	[smem:$0x3FB1] =	sst s2  }
0xb: {  	[smem:$0x3FB2] =	sst s3  }
0xc: {  	[smem:$0x3FB3] =	sst s4  }
0xd: {  	[smem:$0x3FB4] =	sst s5  }
0xe: {  	[smem:$0x3FB5] =	sst s6  }
0xf: {  	[smem:$0x3FB6] =	sst s7  }
0x10: {  	[smem:$0x3FB7] =	sst s8  }
0x11: {  	[smem:$0x3FB8] =	sst s9;
	s0 =	simm.s32 @!p0 $0x0  }
0x12: {  	s1 =	sld [smem:$0x3F9E];
	s0 =	simm.s32 @p0 $0x1  }
0x13: {  	[smem:$0x3FB9] =	sst s0;
	s0 =	simm.s32 @!p1 $0x0  }
0x14: {  	s2 =	sld [smem:$0x3F9D];
	s0 =	simm.s32 @p1 $0x1  }
0x15: {  	[smem:$0x3FBA] =	sst s0;
	s0 =	simm.s32 @!p2 $0x0  }
0x16: {  	s3 =	sld [smem:$0x3FDB];
	s0 =	simm.s32 @p2 $0x1  }
0x17: {  	s4 =	simm.s32 $0x1BF5;
	[smem:$0x3FBC] =	sst s0  }
0x18: {  	s0 =	sld [smem:$0x3F9F];
	_ =	swait.ge [sflag:s4], $0x0  }
0x19: {  	s7 =	sld [smem:$0x3FA0]  }
0x1a: {  	s8 =	sadd.s32 $0xFFFFE003, lr  }
0x1b: {  	s9 =	sadd.s32 $0xFFFFFEF7, lr;
	s5 =	simm.s32 $0xFFFFFFFF;
	p2 =	slt.u32 s8, $0xFFFFF086  }
0x1c: {  	p1 =	slt.u32 s9, $0xF7A;
	s5 =	simm.s32 @!p2 $0x0  }
0x1d: {  	s5 =	simm.s32 @p1 $0x1;
	p0 =	seq.s32 s7, s2  }
0x1e: {  	s7 =	smul.u32 @!p0 $0xF7A, s2;
	p2 =	seq.s32 @!p0 s5, $0x0  }
0x1f: {  	s9 =	smul.u32 $0xF7A, s1;
	s8 =	simm.s32 @!p0 $0x1BF5;
	p2 =	por !p2, p0  }
0x20: {  	[sflag:s8] =	ssyncset.s32 @!p0 $0xFFFFF086;
	s6 =	sadd.s32 @!p0 s3, s7;
	s7 =	simm.s32 @!p0 $0x108  }
0x21: {  	s3 =	sadd.s32 s3, s9;
	s6 =	sadd.s32 @!p0 $0x88, s6;
	s7 =	simm.s32 @p2 $0x1082  }
0x22: {  	[simem:s7], [sflag:s8] =	dma.local @!p0 [hbm:s6], $0xF7A  }
0x23: {  	s9 =	sor.u32 $0xD0000000, s2;
	s6 =	simm.s32 $0x108;
	_ =	swait.ge @!p0 [sflag:s8], $0x0  }
0x24: {  	s3 =	sadd.s32 $0x88, s3;
	s6 =	simm.s32 @!p1 $0x1082;
	[sflag:s4] =	ssyncset.s32 $0xFFFFF086  }
0x25: {  	[simem:s6], [sflag:s4] =	dma.local [hbm:s3], $0xF7A  }
0x26: {  	[smem:$0x3FA0] =	sst s1;
	(tag) =	ssettag s2;
	_ =	strace s9  }
0x27: {  	s1 =	sld [smem:$0x3FB0]  }
0x28: {  	s2 =	sld [smem:$0x3FB1]  }
0x29: {  	s4 =	sld [smem:$0x3FB3]  }
0x2a: {  	p0 =	seq.s32 s5, $0x0;
	s5 =	sld [smem:$0x3FB4]  }
0x2b: {  	s6 =	sld [smem:$0x3FB5]  }
0x2c: {  	s7 =	sld [smem:$0x3FB6]  }
0x2d: {  	s3 =	simm.s32 $0x108;
	s8 =	sld [smem:$0x3FB7]  }
0x2e: {  	s3 =	simm.s32 @!p0 $0x1082;
	s9 =	sld [smem:$0x3FB8]  }
0x2f: {  	lr =	sadd.s32 s0, s3;
	s0 =	sld [smem:$0x3FAF]  }
0x30: {  	s3 =	sld [smem:$0x3FB2]  }
0x31: {  	[smem:$0x3FBB] =	sst s10  }
0x32: {  	s10 =	sld [smem:$0x3FB9];
	_ =	sdelay $0x3  }
0x33: {  	p0 =	seq.s32 s10, $0x1;
	s10 =	sld [smem:$0x3FBB];
	_ =	sdelay $0x3  }
0x34: {  	[smem:$0x3FBB] =	sst s10  }
0x35: {  	s10 =	sld [smem:$0x3FBA];
	_ =	sdelay $0x3  }
0x36: {  	p1 =	seq.s32 s10, $0x1;
	s10 =	sld [smem:$0x3FBB];
	_ =	sdelay $0x3  }
0x37: {  	[smem:$0x3FBB] =	sst s10  }
0x38: {  	s10 =	sld [smem:$0x3FBC]  }
0x39: {  	_ = 	snop;
	(pc) =	sbr.ind lr, $3  }
0x3a: {  	_ = 	snop  }
0x3b: {  	_ = 	snop  }
0x3c: {  	p2 =	seq.s32 s10, $0x1;
	s10 =	sld [smem:$0x3FBB]  }
0x3d: {  	_ =	shalt  }
0x3e: {  	_ =	shalt  }
0x3f: {  	_ =	shalt  }
0x40: {  	_ =	shalt  }
0x41: {  	_ =	shalt  }
0x42: {  	_ =	shalt  }
0x43: {  	_ =	shalt  }
0x44: {  	_ =	shalt  }
0x45: {  	_ =	shalt  }
0x46: {  	_ =	shalt  }
0x47: {  	_ =	shalt  }
0x48: {  	_ =	shalt  }
0x49: {  	_ =	shalt  }
0x4a: {  	_ =	shalt  }
0x4b: {  	_ =	shalt  }
0x4c: {  	_ =	shalt  }
0x4d: {  	_ =	shalt  }
0x4e: {  	_ =	shalt  }
0x4f: {  	_ =	shalt  }
0x50: {  	_ =	shalt  }
0x51: {  	_ =	shalt  }
0x52: {  	_ =	shalt  }
0x53: {  	_ =	shalt  }
0x54: {  	_ =	shalt  }
0x55: {  	_ =	shalt  }
0x56: {  	_ =	shalt  }
0x57: {  	_ =	shalt  }
0x58: {  	_ =	shalt  }
0x59: {  	_ =	shalt  }
0x5a: {  	_ =	shalt  }
0x5b: {  	_ =	shalt  }
0x5c: {  	_ =	shalt  }
0x5d: {  	_ =	shalt  }
0x5e: {  	_ =	shalt  }
0x5f: {  	_ =	shalt  }
0x60: {  	_ =	shalt  }
0x61: {  	_ =	shalt  }
0x62: {  	_ =	shalt  }
0x63: {  	_ =	shalt  }
0x64: {  	_ =	shalt  }
0x65: {  	_ =	shalt  }
0x66: {  	_ =	shalt  }
0x67: {  	_ =	shalt  }
0x68: {  	_ =	shalt  }
0x69: {  	_ =	shalt  }
0x6a: {  	_ =	shalt  }
0x6b: {  	_ =	shalt  }
0x6c: {  	_ =	shalt  }
0x6d: {  	_ =	shalt  }
0x6e: {  	_ =	shalt  }
0x6f: {  	_ =	shalt  }
0x70: {  	_ =	shalt  }
0x71: {  	_ =	shalt  }
0x72: {  	_ =	shalt  }
0x73: {  	_ =	shalt  }
0x74: {  	_ =	shalt  }
0x75: {  	_ =	shalt  }
0x76: {  	_ =	shalt  }
0x77: {  	_ =	shalt  }
0x78: {  	_ =	shalt  }
0x79: {  	_ =	shalt  }
0x7a: {  	_ =	shalt  }
0x7b: {  	_ =	shalt  }
0x7c: {  	_ =	shalt  }
0x7d: {  	_ =	shalt  }
0x7e: {  	_ =	shalt  }
0x7f: {  	_ =	shalt  }
0x80: {  	_ =	shalt  }
0x81: {  	_ =	shalt  }
0x82: {  	_ =	shalt  }
0x83: {  	_ =	shalt  }
0x84: {  	_ =	shalt  }
0x85: {  	_ =	shalt  }
0x86: {  	_ =	shalt  }
0x87: {  	_ =	shalt  }
.Lfunc_end0:
.L_simem_size_0:
called_computation_lowered:
.L_overlay_start_0:
0x88: {  	s2 =	sld [smem:$0x3FD9]  }
0x89: {  	s3 =	sld [smem:$0x3FFE];
	_ =	sdelay $0x1  }
0x8a: {  	s1 =	srdreg.scid  }
0x8b: {  	s0 =	sand.u32 $0x1, s1  }
0x8c: {  	s18 =	sshll.u32 s0, $0xA;
	s2 =	sadd.s32 s3, s2  }
0x8d: {  	s2 =	sadd.s32 s2, s18  }
0x8e: {  	[smem:$0x3FC7] =	sst s2  }
0x8f: {  	_ = 	snop  }
0x90: {  	s2 =	sld [smem:$0x3FC9]  }
0x91: {  	s19 =	sld [smem:$0x3FD0];
	(tm) =	ssettm $0x1  }
0x92: {  	s4 =	sld [smem:$0x3FFB];
	_ =	sdelay $0x3  }
0x93: {  	_ =	strace s4  }
0x94: {  	s4 =	sld [smem:$0x3FFC];
	_ =	sdelay $0x3  }
0x95: {  	_ =	strace s4  }
0x96: {  	s4 =	sld [smem:$0x3FFD];
	_ =	sdelay $0x3  }
0x97: {  	_ =	strace s4  }
0x98: {  	_ =	strace $0x8FFFFFFF  }
0x99: {  	s20 =	sld [smem:$0x3FDB];
	_ =	sdelay $0x1  }
0x9a: {  	s5 =	simm.s32 $_scs_section_size  }
0x9b: {  	s6 =	simm.s32 $_size__tile_overlayer_lowered;
	s7 =	simm.s32 $_tile_overlayer_lowered  }
0x9c: {  	s23 =	simm.s32 $0x1BFF;
	s22 =	sshll.u32 s7, $0x1;
	s4 =	sadd.s32 s5, s20  }
0x9d: {  	s8 =	simm.s32 $0x0;
	s21 =	sshll.u32 s6, $0x1;
	s6 =	sadd.s32 s22, s4  }
0x9e: {  	[timem:s8], [sflag:s23] =	dma.local [hbm:s6], s21  }
0x9f: {  	_ =	swait.ge [sflag:s23], s21  }
0xa0: {  	s5 =	ssub.s32 $0x0, s21;
	[sflag:s23] =	ssyncset.done $0x0  }
0xa1: {  	[sflag:s23] =	ssyncadd.s32 s5;
	_ =	sdelay $0x1  }
0xa2: {  	s24 =	simm.s32 $0x1B8B  }
0xa3: {  	_ =	swait.ge [sflag:s24], $0x1  }
0xa4: {  	[sflag:s24] =	ssyncset.done $0x0  }
0xa5: {  	s25 =	simm.s32 $0x1B8E;
	[sflag:s24] =	ssyncadd.s32 $0xFFFFFFFF  }
0xa6: {  	s26 =	simm.s32 $execute0_lowered;
	[smem:$0x3FD2] =	sst s25  }
0xa7: {  	s5 =	sshll.u32 s26, $0x1;
	_ =	strace $0x80000046;
	[dreg:$0x1] =	wrdreg $0xFFFFFFFF  }
0xa8: {  	s28 =	simm.s32 $_size_execute0_lowered;
	s4 =	sadd.s32 s4, s5;
	[dreg:$0x0] =	wrdreg $0x0  }
0xa9: {  	s5 =	sshll.u32 s28, $0x1;
	[dreg:$0x2] =	wrdreg s4  }
0xaa: {  	[dreg:$0x3] =	wrdreg s5  }
0xab: {  	[dreg:$0x4] =	wrdreg $0xC0  }
0xac: {  	_ =	task [dreg:s8], $0x5FFFF  }
0xad: {  	[dreg:$0x1] =	wrdreg $0xFFFFFFFF  }
0xae: {  	[dreg:$0x0] =	wrdreg $0x60  }
0xaf: {  	[dreg:$0x2] =	wrdreg s2  }
0xb0: {  	[dreg:$0x3] =	wrdreg s19  }
0xb1: {  	[dreg:$0x4] =	wrdreg $0x9  }
0xb2: {  	_ =	task.clear_ibuf [dreg:s8], $0x5FFFF;
	_ =	strace $0x90000046  }
0xb3: {  	s29 =	simm.s32 $0x9;
	_ =	strace $0x80000048  }
0xb4: {  	_ =	swait.ge [sflag:s29], $0x1  }
0xb5: {  	[sflag:s29] =	ssyncadd.s32 $0xFFFFFFFF  }
0xb6: {  	_ =	strace $0x90000048  }
0xb7: {  	_ =	sfence  }
0xb8: {  	s30 =	sld [smem:$0x0];
	_ =	sdelay $0x2  }
0xb9: {  	s31 =	sshll.u32 s1, $0xD;
	s1 =	sshrl.u32 s1, $0x2  }
0xba: {  	s3 =	sand.u32 $0x4000, s31;
	s1 =	sadd.s32 s1, s30  }
0xbb: {  	s0 =	sor.u32 s3, s0;
	s1 =	sshll.u32 s1, $0x11  }
0xbc: {  	s0 =	sor.u32 s1, s0  }
0xbd: {  	s0 =	sadd.s32 $0x8F2B, s0  }
0xbe: {  	[sflag:s0] =	ssyncadd.remote.s32 $0x1  }
0xbf: {  	_ =	sfence.sel $0xFFFF  }
0xc0: {  	[dreg:$0x0] =	wrdreg $0xFFFFFFFF;
	(pc) =	sbr.abs _section_cstart, $3  }
0xc1: {  	[dreg:$0x1] =	wrdreg $0xFFFFFFFF  }
0xc2: {  	_ =	task.clear_ibuf [dreg:s8], $0x2FFFF;
	_ =	strace $0x9FFFFFFF  }
0xc3: {  	(tm) =	ssettm $0x7FFFFFFF  }
tec
execute0_lowered:
.L_overlay_start_1:
0x0: {  	(tag) =	ssettag $0x1  }
0x1: {  	s2 =	rddreg [dreg:$0x0];
	s1 =	srdreg.scid  }
0x2: {  	s0 =	stileid.u32;
	s7 =	rddreg [dreg:$0x1]  }
0x3: {  	s3 =	simm.s32 $0x0;
	s13 =	simm.s32 $0x1;
	s5 =	sand.u32 $0x1, s1  }
0x4: {  	s4 =	sshll.u32 s0, $0x1;
	s1 =	rddreg [dreg:$0x2];
	s9 =	smul.u32 $0x190000, s0  }
0x5: {  	s4 =	sor.u32 s5, s4;
	s6 =	ssub.s32 $0x2, s5;
	s12 =	smul.u32 $0xC8000, s5  }
0x6: {  	[smem:$0x7FF] =	sst s3;
	s4 =	smul.u32 $0xC8000, s4;
	s8 =	sshrl.u32 s6, $0x1  }
0x7: {  	_ =	strace $0x80000047;
	s9 =	sadd.s32 s9, s7;
	s11 =	ssub.s32 s6, s8  }
0x8: {  	s12 =	sadd.s32 s12, s9;
	s10 =	sadd.s32 s7, s4;
	s9 =	smax.u32 s11, $0x1  }
0x9: {  	s11 =	sadd.s32 $0x1909600, s12;
	s4 =	sadd.s32 $0x1900000, s10;
	s5 =	sadd.s32 $0x1901900, s10  }
0xa: {  	s14 =	simm.s32 $0x0;
	s6 =	sadd.s32 $0x1903200, s10;
	s7 =	sadd.s32 $0x1904B00, s10  }
0xb: {  	s12 =	simm.s32 $0x2;
	s8 =	sadd.s32 $0x1906400, s10;
	s10 =	sadd.s32 $0x1907D00, s10  }
.LBB2_1:
0xc: {  	[tilespmem:s3], [sflag:$0x2] =	stream.linear.gather [hbm4b:s2+s3], $0x80, $0x38;
	[tilespmem:$0xC800] =	vst v63  }
0xd: {  	_ =	swait.ge [sflag:s12], $0x80  }
0xe: {  	[sflag:s12] =	ssyncset.done $0x0  }
0xf: {  	[sflag:s12] =	ssyncadd.s32 $0xFFFFFF80  }
0x10: {  	v0 =	vld [tilespmem:$0x0]  }
0x11: {  	v1 =	vld [tilespmem:$0x10]  }
0x12: {  	v2 =	vld [tilespmem:$0x20]  }
0x13: {  	v7 =	vld [tilespmem:$0x70]  }
0x14: {  	v3 =	vld [tilespmem:$0x30]  }
0x15: {  	v4 =	vld [tilespmem:$0x40]  }
0x16: {  	v5 =	vld [tilespmem:$0x50]  }
0x17: {  	s15 =	simm.s32 $0xF0;
	s16 =	simm.s32 $0x5C0;
	v6 =	vld [tilespmem:$0x60]  }
.LBB2_2:
0x18: {  	p0 =	sne.s32 s16, $0x31FC0;
	[tilespmem:s15+$0x0] =	vst v7  }
0x19: {  	[tilespmem:s15+$0xFFFFFF90] =	vst v0  }
0x1a: {  	[tilespmem:s15+$0xFFFFFFA0] =	vst v1  }
.Ltmp0:
0x1b: {  	[tilespmem:s15+$0xFFFFFFB0] =	vst v2;
	(pc) =	sbr.rel @p0 .LBB2_2-.Ltmp0, $4  }
0x1c: {  	[tilespmem:s15+$0xFFFFFFC0] =	vst v3  }
0x1d: {  	[tilespmem:s15+$0xFFFFFFD0] =	vst v4  }
0x1e: {  	[tilespmem:s15+$0xFFFFFFE0] =	vst v5  }
0x1f: {  	[tilespmem:s15+$0xFFFFFFF0] =	vst v6;
	s15 =	sshra.s32 s16, $0x2;
	s16 =	sadd.s32 $0x200, s16  }
0x20: {  	[tilespmem:s15+$0x0] =	vst v7  }
0x21: {  	[tilespmem:s15+$0xFFFFFF90] =	vst v0  }
0x22: {  	[tilespmem:s15+$0xFFFFFFA0] =	vst v1  }
0x23: {  	[tilespmem:s15+$0xFFFFFFB0] =	vst v2  }
0x24: {  	[tilespmem:s15+$0xFFFFFFC0] =	vst v3  }
0x25: {  	[tilespmem:s15+$0xFFFFFFD0] =	vst v4  }
0x26: {  	[tilespmem:s15+$0xFFFFFFE0] =	vst v5  }
0x27: {  	[tilespmem:s15+$0xFFFFFFF0] =	vst v6;
	s30 =	simm.s32 $0x0  }
0x28: {  	[hbm4b:s4+s30] =	stream.linear.scatter [tilespmem:s30], [sflag:$0x1], $0xC800, $0x38;
	[tilespmem:$0xC800] =	vst v63  }
0x29: {  	_ = 	snop  }
0x2a: {  	[hbm4b:s5+s30] =	stream.linear.scatter [tilespmem:s30], [sflag:$0x1], $0xC800, $0x38;
	[tilespmem:$0xC800] =	vst v63  }
0x2b: {  	_ = 	snop  }
0x2c: {  	[hbm4b:s6+s30] =	stream.linear.scatter [tilespmem:s30], [sflag:$0x1], $0xC800, $0x38;
	[tilespmem:$0xC800] =	vst v63  }
0x2d: {  	_ = 	snop  }
0x2e: {  	[hbm4b:s7+s30] =	stream.linear.scatter [tilespmem:s30], [sflag:$0x1], $0xC800, $0x38;
	[tilespmem:$0xC800] =	vst v63  }
0x2f: {  	_ = 	snop  }
0x30: {  	[hbm4b:s8+s30] =	stream.linear.scatter [tilespmem:s30], [sflag:$0x1], $0xC800, $0x38;
	[tilespmem:$0xC800] =	vst v63  }
0x31: {  	_ = 	snop  }
0x32: {  	[hbm4b:s10+s30] =	stream.linear.scatter [tilespmem:s30], [sflag:$0x1], $0xC800, $0x38;
	[tilespmem:$0xC800] =	vst v63  }
0x33: {  	s31 =	sadd.s32 $0x0, s11  }
0x34: {  	[hbm4b:s31+s3] =	stream.linear.scatter [tilespmem:s3], [sflag:$0x1], $0xC800, $0x38;
	[tilespmem:$0xC800] =	vst v63  }
0x35: {  	_ =	swait.ge [sflag:s13], $0xC800  }
0x36: {  	s15 =	simm.s32 $0x1900;
	[sflag:s13] =	ssyncset.done $0x0  }
.LBB2_4:
0x37: {  	s16 =	sadd.s32 s15, s11;
	[sflag:s13] =	ssyncadd.s32 $0xFFFF3800;
	p0 =	sne.s32 s15, $0xBD100  }
0x38: {  	[hbm4b:s16+s3] =	stream.linear.scatter [tilespmem:s3], [sflag:$0x1], $0xC800, $0x38;
	[tilespmem:$0xC800] =	vst v63  }
.Ltmp1:
0x39: {  	_ = 	snop;
	(pc) =	sbr.rel @p0 .LBB2_4-.Ltmp1, $4  }
0x3a: {  	_ = 	snop  }
0x3b: {  	s15 =	sadd.s32 $0x1900, s15  }
0x3c: {  	_ =	swait.ge [sflag:s13], $0xC800  }
0x3d: {  	[sflag:s13] =	ssyncset.done $0x0  }
0x3e: {  	[sflag:s13] =	ssyncadd.s32 $0xFFFF3800  }
0x3f: {  	_ =	swait.ge [sflag:s13], $0xC800  }
0x40: {  	[sflag:s13] =	ssyncset.done $0x0  }
0x41: {  	[sflag:s13] =	ssyncadd.s32 $0xFFFF3800  }
0x42: {  	_ =	swait.ge [sflag:s13], $0xC800  }
0x43: {  	[sflag:s13] =	ssyncset.done $0x0  }
0x44: {  	[sflag:s13] =	ssyncadd.s32 $0xFFFF3800  }
0x45: {  	_ =	swait.ge [sflag:s13], $0xC800  }
0x46: {  	[sflag:s13] =	ssyncset.done $0x0  }
0x47: {  	[sflag:s13] =	ssyncadd.s32 $0xFFFF3800  }
0x48: {  	_ =	swait.ge [sflag:s13], $0xC800  }
0x49: {  	[sflag:s13] =	ssyncset.done $0x0  }
0x4a: {  	s14 =	sadd.s32 $0x1, s14;
	[sflag:s13] =	ssyncadd.s32 $0xFFFF3800  }
0x4b: {  	p0 =	sne.s32 s14, s9;
	_ =	swait.ge [sflag:s13], $0xC800  }
.Ltmp2:
0x4c: {  	[sflag:s13] =	ssyncset.done $0x0;
	(pc) =	sbr.rel @p0 .LBB2_1-.Ltmp2, $4  }
0x4d: {  	[sflag:s13] =	ssyncadd.s32 $0xFFFF3800  }
0x4e: {  	_ =	swait.ge [sflag:s13], $0xC800  }
0x4f: {  	[sflag:s13] =	ssyncset.done $0x0  }
0x50: {  	[sflag:s13] =	ssyncadd.s32 $0xFFFF3800  }
0x51: {  	_ =	sfence.sel $0x180000  }
0x52: {  	[bflag:$0x0] =	sbarrier.arrive $0xFFFF  }
0x53: {  	p0 =	sne.s32 s0, $0x0;
	_ =	strace $0x90000047  }
0x54: {  	s0 =	sadd.s32 @!p0 $0x100000, s1;
	[bflag:$0x2] =	sbarrier.arrive $0xFFFF  }
0x55: {  	[sflag:s0] =	ssyncadd.tile.s32 @!p0 $0x1;
	_ =	shalt  }
.Lfunc_end2:
_tile_overlayer_lowered:
.L_overlay_start_2:
0x56: {  	(tag) =	ssettag $0x2  }
0x57: {  	s0 =	rddreg [dreg:$0x0];
	s2 =	stileid.u32  }
0x58: {  	s1 =	rddreg [dreg:$0x1];
	p0 =	sne.s32 s2, $0x0  }
0x59: {  	s3 =	rddreg [dreg:$0x2];
	[bflag:$0x3] =	sbarrier.arrive $0xFFFF;
	s2 =	simm.s32 @!p0 $0x1C02  }
0x5a: {  	[timem:s3], [sflag:s2] =	dma.local @!p0 [hbm:s0], s1  }
0x5b: {  	s0 =	simm.s32 @!p0 $0x2  }
0x5c: {  	_ =	swait.ge @!p0 [sflag:s0], s1  }
0x5d: {  	s1 =	ssub.s32 @!p0 $0x0, s1;
	[sflag:s0] =	ssyncset.done @!p0 $0x0  }
0x5e: {  	[sflag:s0] =	ssyncadd.s32 @!p0 s1  }
0x5f: {  	[bflag:$0x3] =	sbarrier.arrive $0xFFFF  }
0x60: {  	_ =	shalt  }

</sc_bundles>
